<compile_context>
chip_gen: v7x
topology: tpu7x:2x2x1
jax: 0.10.2.dev20260603
libtpu: 0.0.44.dev20260713+nightly
codegen_flags: <defaults>
</compile_context>

<pallas_src>
import functools

import jax
import jax.numpy as jnp
from jax import lax
from jax.experimental import pallas as pl
from jax.experimental.pallas import tpu as pltpu
from jax.experimental.pallas import tpu_sc as plsc

_TOK_BLOCK = 2304
_GATHER_CHUNK = 96


def _dist_argmin_body(x_ref, cb_ref, dist_ref, idx_ref, b2_ref):
    @pl.when(pl.program_id(0) == 0)
    def _():
        cb = cb_ref[...]
        b2_ref[...] = jnp.sum(cb * cb, axis=1)[None, :]

    xs = x_ref[...] * -2.0
    a2 = 0.25 * jnp.sum(xs * xs, axis=1, keepdims=True)
    ab2 = lax.dot_general(xs, cb_ref[...], (((1,), (1,)), ((), ())),
                          preferred_element_type=jnp.float32)
    dist = (ab2 + a2) + b2_ref[...]
    dist_ref[...] = dist
    k = dist.shape[1]
    mins = jnp.min(dist, axis=1, keepdims=True)
    ids = lax.broadcasted_iota(jnp.int32, dist.shape, 1).astype(jnp.float32)
    idx_f = jnp.min(jnp.where(dist == mins, ids, float(k)), axis=1,
                    keepdims=True)
    idx_ref[...] = jnp.transpose(idx_f.astype(jnp.int32)).reshape(1, 1, -1)


def _distances_and_argmin(xf, codebook):
    n, d = xf.shape
    k_size = codebook.shape[0]
    nb = n // _TOK_BLOCK
    dist, idx3 = pl.pallas_call(
        _dist_argmin_body,
        grid=(nb,),
        in_specs=[
            pl.BlockSpec((_TOK_BLOCK, d), lambda i: (i, 0)),
            pl.BlockSpec((k_size, d), lambda i: (0, 0)),
        ],
        out_specs=[
            pl.BlockSpec((_TOK_BLOCK, k_size), lambda i: (i, 0)),
            pl.BlockSpec((1, 1, _TOK_BLOCK), lambda i: (i, 0, 0)),
        ],
        out_shape=[
            jax.ShapeDtypeStruct((n, k_size), jnp.float32),
            jax.ShapeDtypeStruct((nb, 1, _TOK_BLOCK), jnp.int32),
        ],
        scratch_shapes=[pltpu.VMEM((1, k_size), jnp.float32)],
    )(xf, codebook)
    return dist, idx3.reshape(n)


def _sc_gather(idx, codebook):
    n = idx.shape[0]
    k_size, d = codebook.shape
    info = plsc.get_sparse_core_info()
    nc, ns = info.num_cores, info.num_subcores
    nw = nc * ns
    b_per_w = n // nw
    n_chunks = b_per_w // _GATHER_CHUNK
    mesh = plsc.VectorSubcoreMesh(core_axis_name="c", subcore_axis_name="s")

    @functools.partial(
        pl.kernel, mesh=mesh,
        out_type=jax.ShapeDtypeStruct((n, d), jnp.float32),
        scratch_types=[
            pltpu.VMEM((n_chunks, _GATHER_CHUNK), jnp.int32),
            pltpu.VMEM((b_per_w, d), jnp.float32),
            pltpu.SemaphoreType.DMA,
            pltpu.SemaphoreType.DMA,
            pltpu.SemaphoreType.DMA,
        ],
    )
    def gather_kernel(idx_hbm, table_hbm, out_hbm, idx_v, rows_v,
                      sem_i, sem_g, sem_o):
        wid = lax.axis_index("s") * nc + lax.axis_index("c")
        base = wid * b_per_w
        idx_copies = [
            pltpu.async_copy(
                idx_hbm.at[pl.ds(base + j * _GATHER_CHUNK, _GATHER_CHUNK)],
                idx_v.at[j], sem_i)
            for j in range(n_chunks)
        ]
        gathers = []
        for j in range(n_chunks):
            idx_copies[j].wait()
            gathers.append(pltpu.async_copy(
                table_hbm.at[idx_v.at[j]],
                rows_v.at[pl.ds(j * _GATHER_CHUNK, _GATHER_CHUNK)], sem_g))
        writes = []
        for j in range(n_chunks):
            gathers[j].wait()
            writes.append(pltpu.async_copy(
                rows_v.at[pl.ds(j * _GATHER_CHUNK, _GATHER_CHUNK)],
                out_hbm.at[pl.ds(base + j * _GATHER_CHUNK, _GATHER_CHUNK)],
                sem_o))
        for c in writes:
            c.wait()

    return gather_kernel(idx, codebook)


def kernel(x, codebook):
    codebook = jnp.asarray(codebook)
    k_size, d = codebook.shape
    lead = x.shape[:-1]
    xf = x.reshape(-1, d)
    dist, idx = _distances_and_argmin(xf, codebook)
    quantized = _sc_gather(idx, codebook)
    return quantized.reshape(lead + (d,)), dist.reshape(lead + (k_size,))

# --- scband reference (transcript-rebuilt; emitter-appended) ---
"""Pipeline reference for scband-vector-quantizer-4449586119189 (READ-ONLY COPY).

The authoritative reference and input builder live on the scoring server;
editing this copy changes nothing except your own understanding.
"""

import jax, jax.numpy as jnp
import numpy as np


def squared_euclidean_distance(a, b, b2=None):
    if b2 is None:
        b2 = jnp.sum(b.T ** 2, axis=0, keepdims=True)
    a2 = jnp.sum(a ** 2, axis=1, keepdims=True)
    ab = jnp.matmul(a, b.T)
    d = a2 - 2 * ab + b2
    return d


def setup_inputs(seed: int = 0) -> dict:
    key = jax.random.key(seed)
    kx, kc = jax.random.split(key)
    x = jax.random.normal(kx, (16, 576, 256), dtype=jnp.float32)
    init = jax.nn.initializers.variance_scaling(scale=1.0, mode='fan_in', distribution='uniform')
    codebook = init(kc, (1024, 256), jnp.float32)
    return {"x": x, "codebook": codebook}


def reference(x, codebook):
    codebook = jnp.asarray(codebook)
    codebook_size, latent_dim = codebook.shape
    distances = jnp.reshape(
        squared_euclidean_distance(jnp.reshape(x, (-1, latent_dim)), codebook),
        x.shape[:-1] + (codebook_size,))
    encoding_indices = jnp.argmin(distances, axis=-1)
    encoding_onehot = jax.nn.one_hot(encoding_indices, codebook_size)
    quantized = jnp.dot(encoding_onehot, codebook)
    return (quantized, distances)

if __name__ == "__main__":
    import jax
    _d = setup_inputs()
    print(jax.jit(kernel)(*tuple(_d.values())))

</pallas_src>

<mosaic_0001>
#map = affine_map<(d0, d1) -> (0)>
#map1 = affine_map<(d0, d1) -> (0, 0)>
module attributes {stable_mosaic.version = 14 : i64} {
  func.func @gather_kernel(%arg0: i32, %arg1: i32, %arg2: memref<9216xi32, #tpu.memory_space<hbm>>, %arg3: memref<1024x256xf32, #tpu.memory_space<hbm>>, %arg4: memref<9216x256xf32, #tpu.memory_space<hbm>>, %arg5: memref<3x96xi32, #tpu.memory_space<vmem>>, %arg6: memref<288x256xf32, #tpu.memory_space<vmem>>, %arg7: memref<!tpu.dma_semaphore, #tpu.memory_space<semaphore_mem>>, %arg8: memref<!tpu.dma_semaphore, #tpu.memory_space<semaphore_mem>>, %arg9: memref<!tpu.dma_semaphore, #tpu.memory_space<semaphore_mem>>) attributes {dimension_semantics = [#tpu.dimension_semantics<core_parallel>, #tpu.dimension_semantics<subcore_parallel>], iteration_bounds = array<i64: 2, 16>, scalar_prefetch = 0 : i64, scratch_operands = 5 : i64, tpu.core_type = #tpu.core_type<sc_vector_subcore>, window_params = [{transform_indices = #map}, {transform_indices = #map1}, {transform_indices = #map1}]} {
    %mul3A = arith.constant 2 : i32
    %mul3A_0 = arith.muli %arg1, %mul3A : i32
    %add3A = arith.addi %mul3A_0, %arg0 : i32
    %mul3A_1 = arith.constant 288 : i32
    %mul3A_2 = arith.muli %add3A, %mul3A_1 : i32
    %add3A_3 = arith.constant 0 : i32
    %add3A_4 = arith.addi %mul3A_2, %add3A_3 : i32
    %dma_start3A = arith.constant 0 : i32
    %dma_start3A_5 = arith.constant 0 : i32
    %dma_start3A_6 = tpu.memref_slice %arg5[%dma_start3A, %dma_start3A_5] : memref<3x96xi32, #tpu.memory_space<vmem>> -> memref<1x96xi32, #tpu.memory_space<vmem>>
    %dma_start3A_7 = tpu.memref_squeeze %dma_start3A_6 : memref<1x96xi32, #tpu.memory_space<vmem>> -> memref<96xi32, #tpu.memory_space<vmem>>
    %dma_start3A_8 = tpu.memref_slice %arg2[%add3A_4] : memref<9216xi32, #tpu.memory_space<hbm>> -> memref<96xi32, #tpu.memory_space<hbm>>
    %dma_start3A_9 = arith.constant 0 : i32
    %dma_start3A_10 = tpu.memref_slice %arg5[%dma_start3A, %dma_start3A_9] : memref<3x96xi32, #tpu.memory_space<vmem>> -> memref<1x96xi32, #tpu.memory_space<vmem>>
    %dma_start3A_11 = tpu.memref_squeeze %dma_start3A_10 : memref<1x96xi32, #tpu.memory_space<vmem>> -> memref<96xi32, #tpu.memory_space<vmem>>
    %dma_start3A_12 = tpu.memref_slice %arg2[%add3A_4] : memref<9216xi32, #tpu.memory_space<hbm>> -> memref<96xi32, #tpu.memory_space<hbm>>
    tpu.enqueue_dma source(%dma_start3A_12 : memref<96xi32, #tpu.memory_space<hbm>>) target(%dma_start3A_11 : memref<96xi32, #tpu.memory_space<vmem>>) target_semaphore(%arg7 : memref<!tpu.dma_semaphore, #tpu.memory_space<semaphore_mem>>)
    %add3A_13 = arith.constant 96 : i32
    %add3A_14 = arith.addi %mul3A_2, %add3A_13 : i32
    %dma_start3A_15 = arith.constant 1 : i32
    %dma_start3A_16 = arith.constant 0 : i32
    %dma_start3A_17 = tpu.memref_slice %arg5[%dma_start3A_15, %dma_start3A_16] : memref<3x96xi32, #tpu.memory_space<vmem>> -> memref<1x96xi32, #tpu.memory_space<vmem>>
    %dma_start3A_18 = tpu.memref_squeeze %dma_start3A_17 : memref<1x96xi32, #tpu.memory_space<vmem>> -> memref<96xi32, #tpu.memory_space<vmem>>
    %dma_start3A_19 = tpu.memref_slice %arg2[%add3A_14] : memref<9216xi32, #tpu.memory_space<hbm>> -> memref<96xi32, #tpu.memory_space<hbm>>
    %dma_start3A_20 = arith.constant 0 : i32
    %dma_start3A_21 = tpu.memref_slice %arg5[%dma_start3A_15, %dma_start3A_20] : memref<3x96xi32, #tpu.memory_space<vmem>> -> memref<1x96xi32, #tpu.memory_space<vmem>>
    %dma_start3A_22 = tpu.memref_squeeze %dma_start3A_21 : memref<1x96xi32, #tpu.memory_space<vmem>> -> memref<96xi32, #tpu.memory_space<vmem>>
    %dma_start3A_23 = tpu.memref_slice %arg2[%add3A_14] : memref<9216xi32, #tpu.memory_space<hbm>> -> memref<96xi32, #tpu.memory_space<hbm>>
    tpu.enqueue_dma source(%dma_start3A_23 : memref<96xi32, #tpu.memory_space<hbm>>) target(%dma_start3A_22 : memref<96xi32, #tpu.memory_space<vmem>>) target_semaphore(%arg7 : memref<!tpu.dma_semaphore, #tpu.memory_space<semaphore_mem>>)
    %add3A_24 = arith.constant 192 : i32
    %add3A_25 = arith.addi %mul3A_2, %add3A_24 : i32
    %dma_start3A_26 = arith.constant 2 : i32
    %dma_start3A_27 = arith.constant 0 : i32
    %dma_start3A_28 = tpu.memref_slice %arg5[%dma_start3A_26, %dma_start3A_27] : memref<3x96xi32, #tpu.memory_space<vmem>> -> memref<1x96xi32, #tpu.memory_space<vmem>>
    %dma_start3A_29 = tpu.memref_squeeze %dma_start3A_28 : memref<1x96xi32, #tpu.memory_space<vmem>> -> memref<96xi32, #tpu.memory_space<vmem>>
    %dma_start3A_30 = tpu.memref_slice %arg2[%add3A_25] : memref<9216xi32, #tpu.memory_space<hbm>> -> memref<96xi32, #tpu.memory_space<hbm>>
    %dma_start3A_31 = arith.constant 0 : i32
    %dma_start3A_32 = tpu.memref_slice %arg5[%dma_start3A_26, %dma_start3A_31] : memref<3x96xi32, #tpu.memory_space<vmem>> -> memref<1x96xi32, #tpu.memory_space<vmem>>
    %dma_start3A_33 = tpu.memref_squeeze %dma_start3A_32 : memref<1x96xi32, #tpu.memory_space<vmem>> -> memref<96xi32, #tpu.memory_space<vmem>>
    %dma_start3A_34 = tpu.memref_slice %arg2[%add3A_25] : memref<9216xi32, #tpu.memory_space<hbm>> -> memref<96xi32, #tpu.memory_space<hbm>>
    tpu.enqueue_dma source(%dma_start3A_34 : memref<96xi32, #tpu.memory_space<hbm>>) target(%dma_start3A_33 : memref<96xi32, #tpu.memory_space<vmem>>) target_semaphore(%arg7 : memref<!tpu.dma_semaphore, #tpu.memory_space<semaphore_mem>>)
    %dma_wait3A = arith.constant 0 : i32
    %dma_wait3A_35 = arith.constant 0 : i32
    %dma_wait3A_36 = tpu.memref_slice %arg5[%dma_wait3A, %dma_wait3A_35] : memref<3x96xi32, #tpu.memory_space<vmem>> -> memref<1x96xi32, #tpu.memory_space<vmem>>
    %dma_wait3A_37 = tpu.memref_squeeze %dma_wait3A_36 : memref<1x96xi32, #tpu.memory_space<vmem>> -> memref<96xi32, #tpu.memory_space<vmem>>
    %dma_wait3A_38 = tpu.memref_slice %arg2[%add3A_4] : memref<9216xi32, #tpu.memory_space<hbm>> -> memref<96xi32, #tpu.memory_space<hbm>>
    %dma_wait3A_39 = arith.constant 0 : i32
    %dma_wait3A_40 = tpu.memref_slice %arg5[%dma_wait3A, %dma_wait3A_39] : memref<3x96xi32, #tpu.memory_space<vmem>> -> memref<1x96xi32, #tpu.memory_space<vmem>>
    %dma_wait3A_41 = tpu.memref_squeeze %dma_wait3A_40 : memref<1x96xi32, #tpu.memory_space<vmem>> -> memref<96xi32, #tpu.memory_space<vmem>>
    %dma_wait3A_42 = tpu.memref_slice %arg2[%add3A_4] : memref<9216xi32, #tpu.memory_space<hbm>> -> memref<96xi32, #tpu.memory_space<hbm>>
    tpu.wait_dma2 semaphore(%arg7 : memref<!tpu.dma_semaphore, #tpu.memory_space<semaphore_mem>>) src(%dma_wait3A_42 : memref<96xi32, #tpu.memory_space<hbm>>) dst(%dma_wait3A_41 : memref<96xi32, #tpu.memory_space<vmem>>)
    %dma_start3A_43 = arith.constant 0 : i32
    %dma_start3A_44 = arith.constant 0 : i32
    %dma_start3A_45 = arith.constant 0 : i32
    %dma_start3A_46 = tpu.memref_slice %arg6[%dma_start3A_44, %dma_start3A_45] : memref<288x256xf32, #tpu.memory_space<vmem>> -> memref<96x256xf32, #tpu.memory_space<vmem>>
    %dma_start3A_47 = arith.constant 0 : i32
    %dma_start3A_48 = tpu.memref_slice %arg5[%dma_start3A_43, %dma_start3A_47] : memref<3x96xi32, #tpu.memory_space<vmem>> -> memref<1x96xi32, #tpu.memory_space<vmem>>
    %dma_start3A_49 = tpu.memref_squeeze %dma_start3A_48 : memref<1x96xi32, #tpu.memory_space<vmem>> -> memref<96xi32, #tpu.memory_space<vmem>>
    %dma_start3A_50 = arith.constant 0 : i32
    %dma_start3A_51 = arith.constant 0 : i32
    %dma_start3A_52 = tpu.memref_slice %arg3[%dma_start3A_50, %dma_start3A_51] : memref<1024x256xf32, #tpu.memory_space<hbm>> -> memref<1024x256xf32, #tpu.memory_space<hbm>>
    tpu.enqueue_indirect_dma source(%dma_start3A_52 : memref<1024x256xf32, #tpu.memory_space<hbm>>) target(%dma_start3A_46 : memref<96x256xf32, #tpu.memory_space<vmem>>) offsets(%dma_start3A_49 : memref<96xi32, #tpu.memory_space<vmem>>) semaphore(%arg8 : memref<!tpu.dma_semaphore, #tpu.memory_space<semaphore_mem>>)
    %dma_wait3A_53 = arith.constant 1 : i32
    %dma_wait3A_54 = arith.constant 0 : i32
    %dma_wait3A_55 = tpu.memref_slice %arg5[%dma_wait3A_53, %dma_wait3A_54] : memref<3x96xi32, #tpu.memory_space<vmem>> -> memref<1x96xi32, #tpu.memory_space<vmem>>
    %dma_wait3A_56 = tpu.memref_squeeze %dma_wait3A_55 : memref<1x96xi32, #tpu.memory_space<vmem>> -> memref<96xi32, #tpu.memory_space<vmem>>
    %dma_wait3A_57 = tpu.memref_slice %arg2[%add3A_14] : memref<9216xi32, #tpu.memory_space<hbm>> -> memref<96xi32, #tpu.memory_space<hbm>>
    %dma_wait3A_58 = arith.constant 0 : i32
    %dma_wait3A_59 = tpu.memref_slice %arg5[%dma_wait3A_53, %dma_wait3A_58] : memref<3x96xi32, #tpu.memory_space<vmem>> -> memref<1x96xi32, #tpu.memory_space<vmem>>
    %dma_wait3A_60 = tpu.memref_squeeze %dma_wait3A_59 : memref<1x96xi32, #tpu.memory_space<vmem>> -> memref<96xi32, #tpu.memory_space<vmem>>
    %dma_wait3A_61 = tpu.memref_slice %arg2[%add3A_14] : memref<9216xi32, #tpu.memory_space<hbm>> -> memref<96xi32, #tpu.memory_space<hbm>>
    tpu.wait_dma2 semaphore(%arg7 : memref<!tpu.dma_semaphore, #tpu.memory_space<semaphore_mem>>) src(%dma_wait3A_61 : memref<96xi32, #tpu.memory_space<hbm>>) dst(%dma_wait3A_60 : memref<96xi32, #tpu.memory_space<vmem>>)
    %dma_start3A_62 = arith.constant 1 : i32
    %dma_start3A_63 = arith.constant 96 : i32
    %dma_start3A_64 = arith.constant 0 : i32
    %dma_start3A_65 = tpu.memref_slice %arg6[%dma_start3A_63, %dma_start3A_64] : memref<288x256xf32, #tpu.memory_space<vmem>> -> memref<96x256xf32, #tpu.memory_space<vmem>>
    %dma_start3A_66 = arith.constant 0 : i32
    %dma_start3A_67 = tpu.memref_slice %arg5[%dma_start3A_62, %dma_start3A_66] : memref<3x96xi32, #tpu.memory_space<vmem>> -> memref<1x96xi32, #tpu.memory_space<vmem>>
    %dma_start3A_68 = tpu.memref_squeeze %dma_start3A_67 : memref<1x96xi32, #tpu.memory_space<vmem>> -> memref<96xi32, #tpu.memory_space<vmem>>
    %dma_start3A_69 = arith.constant 0 : i32
    %dma_start3A_70 = arith.constant 0 : i32
    %dma_start3A_71 = tpu.memref_slice %arg3[%dma_start3A_69, %dma_start3A_70] : memref<1024x256xf32, #tpu.memory_space<hbm>> -> memref<1024x256xf32, #tpu.memory_space<hbm>>
    tpu.enqueue_indirect_dma source(%dma_start3A_71 : memref<1024x256xf32, #tpu.memory_space<hbm>>) target(%dma_start3A_65 : memref<96x256xf32, #tpu.memory_space<vmem>>) offsets(%dma_start3A_68 : memref<96xi32, #tpu.memory_space<vmem>>) semaphore(%arg8 : memref<!tpu.dma_semaphore, #tpu.memory_space<semaphore_mem>>)
    %dma_wait3A_72 = arith.constant 2 : i32
    %dma_wait3A_73 = arith.constant 0 : i32
    %dma_wait3A_74 = tpu.memref_slice %arg5[%dma_wait3A_72, %dma_wait3A_73] : memref<3x96xi32, #tpu.memory_space<vmem>> -> memref<1x96xi32, #tpu.memory_space<vmem>>
    %dma_wait3A_75 = tpu.memref_squeeze %dma_wait3A_74 : memref<1x96xi32, #tpu.memory_space<vmem>> -> memref<96xi32, #tpu.memory_space<vmem>>
    %dma_wait3A_76 = tpu.memref_slice %arg2[%add3A_25] : memref<9216xi32, #tpu.memory_space<hbm>> -> memref<96xi32, #tpu.memory_space<hbm>>
    %dma_wait3A_77 = arith.constant 0 : i32
    %dma_wait3A_78 = tpu.memref_slice %arg5[%dma_wait3A_72, %dma_wait3A_77] : memref<3x96xi32, #tpu.memory_space<vmem>> -> memref<1x96xi32, #tpu.memory_space<vmem>>
    %dma_wait3A_79 = tpu.memref_squeeze %dma_wait3A_78 : memref<1x96xi32, #tpu.memory_space<vmem>> -> memref<96xi32, #tpu.memory_space<vmem>>
    %dma_wait3A_80 = tpu.memref_slice %arg2[%add3A_25] : memref<9216xi32, #tpu.memory_space<hbm>> -> memref<96xi32, #tpu.memory_space<hbm>>
    tpu.wait_dma2 semaphore(%arg7 : memref<!tpu.dma_semaphore, #tpu.memory_space<semaphore_mem>>) src(%dma_wait3A_80 : memref<96xi32, #tpu.memory_space<hbm>>) dst(%dma_wait3A_79 : memref<96xi32, #tpu.memory_space<vmem>>)
    %dma_start3A_81 = arith.constant 2 : i32
    %dma_start3A_82 = arith.constant 192 : i32
    %dma_start3A_83 = arith.constant 0 : i32
    %dma_start3A_84 = tpu.memref_slice %arg6[%dma_start3A_82, %dma_start3A_83] : memref<288x256xf32, #tpu.memory_space<vmem>> -> memref<96x256xf32, #tpu.memory_space<vmem>>
    %dma_start3A_85 = arith.constant 0 : i32
    %dma_start3A_86 = tpu.memref_slice %arg5[%dma_start3A_81, %dma_start3A_85] : memref<3x96xi32, #tpu.memory_space<vmem>> -> memref<1x96xi32, #tpu.memory_space<vmem>>
    %dma_start3A_87 = tpu.memref_squeeze %dma_start3A_86 : memref<1x96xi32, #tpu.memory_space<vmem>> -> memref<96xi32, #tpu.memory_space<vmem>>
    %dma_start3A_88 = arith.constant 0 : i32
    %dma_start3A_89 = arith.constant 0 : i32
    %dma_start3A_90 = tpu.memref_slice %arg3[%dma_start3A_88, %dma_start3A_89] : memref<1024x256xf32, #tpu.memory_space<hbm>> -> memref<1024x256xf32, #tpu.memory_space<hbm>>
    tpu.enqueue_indirect_dma source(%dma_start3A_90 : memref<1024x256xf32, #tpu.memory_space<hbm>>) target(%dma_start3A_84 : memref<96x256xf32, #tpu.memory_space<vmem>>) offsets(%dma_start3A_87 : memref<96xi32, #tpu.memory_space<vmem>>) semaphore(%arg8 : memref<!tpu.dma_semaphore, #tpu.memory_space<semaphore_mem>>)
    %dma_wait3A_91 = arith.constant 0 : i32
    %dma_wait3A_92 = arith.constant 0 : i32
    %dma_wait3A_93 = arith.constant 0 : i32
    %dma_wait3A_94 = tpu.memref_slice %arg6[%dma_wait3A_92, %dma_wait3A_93] : memref<288x256xf32, #tpu.memory_space<vmem>> -> memref<96x256xf32, #tpu.memory_space<vmem>>
    %dma_wait3A_95 = arith.constant 0 : i32
    %dma_wait3A_96 = tpu.memref_slice %arg5[%dma_wait3A_91, %dma_wait3A_95] : memref<3x96xi32, #tpu.memory_space<vmem>> -> memref<1x96xi32, #tpu.memory_space<vmem>>
    %dma_wait3A_97 = tpu.memref_squeeze %dma_wait3A_96 : memref<1x96xi32, #tpu.memory_space<vmem>> -> memref<96xi32, #tpu.memory_space<vmem>>
    %dma_wait3A_98 = arith.constant 0 : i32
    %dma_wait3A_99 = arith.constant 0 : i32
    %dma_wait3A_100 = tpu.memref_slice %arg3[%dma_wait3A_98, %dma_wait3A_99] : memref<1024x256xf32, #tpu.memory_space<hbm>> -> memref<1024x256xf32, #tpu.memory_space<hbm>>
    tpu.wait_indirect_dma semaphore(%arg8 : memref<!tpu.dma_semaphore, #tpu.memory_space<semaphore_mem>>) src(%dma_wait3A_100 : memref<1024x256xf32, #tpu.memory_space<hbm>>) dst(%dma_wait3A_94 : memref<96x256xf32, #tpu.memory_space<vmem>>)
    %add3A_101 = arith.constant 0 : i32
    %add3A_102 = arith.addi %mul3A_2, %add3A_101 : i32
    %dma_start3A_103 = arith.constant 0 : i32
    %dma_start3A_104 = arith.constant 0 : i32
    %dma_start3A_105 = tpu.memref_slice %arg6[%dma_start3A_103, %dma_start3A_104] : memref<288x256xf32, #tpu.memory_space<vmem>> -> memref<96x256xf32, #tpu.memory_space<vmem>>
    %dma_start3A_106 = arith.constant 0 : i32
    %dma_start3A_107 = tpu.memref_slice %arg4[%add3A_102, %dma_start3A_106] : memref<9216x256xf32, #tpu.memory_space<hbm>> -> memref<96x256xf32, #tpu.memory_space<hbm>>
    %dma_start3A_108 = arith.constant 0 : i32
    %dma_start3A_109 = tpu.memref_slice %arg4[%add3A_102, %dma_start3A_108] : memref<9216x256xf32, #tpu.memory_space<hbm>> -> memref<96x256xf32, #tpu.memory_space<hbm>>
    %dma_start3A_110 = arith.constant 0 : i32
    %dma_start3A_111 = arith.constant 0 : i32
    %dma_start3A_112 = tpu.memref_slice %arg6[%dma_start3A_110, %dma_start3A_111] : memref<288x256xf32, #tpu.memory_space<vmem>> -> memref<96x256xf32, #tpu.memory_space<vmem>>
    tpu.enqueue_dma source(%dma_start3A_112 : memref<96x256xf32, #tpu.memory_space<vmem>>) target(%dma_start3A_109 : memref<96x256xf32, #tpu.memory_space<hbm>>) target_semaphore(%arg9 : memref<!tpu.dma_semaphore, #tpu.memory_space<semaphore_mem>>)
    %dma_wait3A_113 = arith.constant 1 : i32
    %dma_wait3A_114 = arith.constant 96 : i32
    %dma_wait3A_115 = arith.constant 0 : i32
    %dma_wait3A_116 = tpu.memref_slice %arg6[%dma_wait3A_114, %dma_wait3A_115] : memref<288x256xf32, #tpu.memory_space<vmem>> -> memref<96x256xf32, #tpu.memory_space<vmem>>
    %dma_wait3A_117 = arith.constant 0 : i32
    %dma_wait3A_118 = tpu.memref_slice %arg5[%dma_wait3A_113, %dma_wait3A_117] : memref<3x96xi32, #tpu.memory_space<vmem>> -> memref<1x96xi32, #tpu.memory_space<vmem>>
    %dma_wait3A_119 = tpu.memref_squeeze %dma_wait3A_118 : memref<1x96xi32, #tpu.memory_space<vmem>> -> memref<96xi32, #tpu.memory_space<vmem>>
    %dma_wait3A_120 = arith.constant 0 : i32
    %dma_wait3A_121 = arith.constant 0 : i32
    %dma_wait3A_122 = tpu.memref_slice %arg3[%dma_wait3A_120, %dma_wait3A_121] : memref<1024x256xf32, #tpu.memory_space<hbm>> -> memref<1024x256xf32, #tpu.memory_space<hbm>>
    tpu.wait_indirect_dma semaphore(%arg8 : memref<!tpu.dma_semaphore, #tpu.memory_space<semaphore_mem>>) src(%dma_wait3A_122 : memref<1024x256xf32, #tpu.memory_space<hbm>>) dst(%dma_wait3A_116 : memref<96x256xf32, #tpu.memory_space<vmem>>)
    %add3A_123 = arith.constant 96 : i32
    %add3A_124 = arith.addi %mul3A_2, %add3A_123 : i32
    %dma_start3A_125 = arith.constant 96 : i32
    %dma_start3A_126 = arith.constant 0 : i32
    %dma_start3A_127 = tpu.memref_slice %arg6[%dma_start3A_125, %dma_start3A_126] : memref<288x256xf32, #tpu.memory_space<vmem>> -> memref<96x256xf32, #tpu.memory_space<vmem>>
    %dma_start3A_128 = arith.constant 0 : i32
    %dma_start3A_129 = tpu.memref_slice %arg4[%add3A_124, %dma_start3A_128] : memref<9216x256xf32, #tpu.memory_space<hbm>> -> memref<96x256xf32, #tpu.memory_space<hbm>>
    %dma_start3A_130 = arith.constant 0 : i32
    %dma_start3A_131 = tpu.memref_slice %arg4[%add3A_124, %dma_start3A_130] : memref<9216x256xf32, #tpu.memory_space<hbm>> -> memref<96x256xf32, #tpu.memory_space<hbm>>
    %dma_start3A_132 = arith.constant 96 : i32
    %dma_start3A_133 = arith.constant 0 : i32
    %dma_start3A_134 = tpu.memref_slice %arg6[%dma_start3A_132, %dma_start3A_133] : memref<288x256xf32, #tpu.memory_space<vmem>> -> memref<96x256xf32, #tpu.memory_space<vmem>>
    tpu.enqueue_dma source(%dma_start3A_134 : memref<96x256xf32, #tpu.memory_space<vmem>>) target(%dma_start3A_131 : memref<96x256xf32, #tpu.memory_space<hbm>>) target_semaphore(%arg9 : memref<!tpu.dma_semaphore, #tpu.memory_space<semaphore_mem>>)
    %dma_wait3A_135 = arith.constant 2 : i32
    %dma_wait3A_136 = arith.constant 192 : i32
    %dma_wait3A_137 = arith.constant 0 : i32
    %dma_wait3A_138 = tpu.memref_slice %arg6[%dma_wait3A_136, %dma_wait3A_137] : memref<288x256xf32, #tpu.memory_space<vmem>> -> memref<96x256xf32, #tpu.memory_space<vmem>>
    %dma_wait3A_139 = arith.constant 0 : i32
    %dma_wait3A_140 = tpu.memref_slice %arg5[%dma_wait3A_135, %dma_wait3A_139] : memref<3x96xi32, #tpu.memory_space<vmem>> -> memref<1x96xi32, #tpu.memory_space<vmem>>
    %dma_wait3A_141 = tpu.memref_squeeze %dma_wait3A_140 : memref<1x96xi32, #tpu.memory_space<vmem>> -> memref<96xi32, #tpu.memory_space<vmem>>
    %dma_wait3A_142 = arith.constant 0 : i32
    %dma_wait3A_143 = arith.constant 0 : i32
    %dma_wait3A_144 = tpu.memref_slice %arg3[%dma_wait3A_142, %dma_wait3A_143] : memref<1024x256xf32, #tpu.memory_space<hbm>> -> memref<1024x256xf32, #tpu.memory_space<hbm>>
    tpu.wait_indirect_dma semaphore(%arg8 : memref<!tpu.dma_semaphore, #tpu.memory_space<semaphore_mem>>) src(%dma_wait3A_144 : memref<1024x256xf32, #tpu.memory_space<hbm>>) dst(%dma_wait3A_138 : memref<96x256xf32, #tpu.memory_space<vmem>>)
    %add3A_145 = arith.constant 192 : i32
    %add3A_146 = arith.addi %mul3A_2, %add3A_145 : i32
    %dma_start3A_147 = arith.constant 192 : i32
    %dma_start3A_148 = arith.constant 0 : i32
    %dma_start3A_149 = tpu.memref_slice %arg6[%dma_start3A_147, %dma_start3A_148] : memref<288x256xf32, #tpu.memory_space<vmem>> -> memref<96x256xf32, #tpu.memory_space<vmem>>
    %dma_start3A_150 = arith.constant 0 : i32
    %dma_start3A_151 = tpu.memref_slice %arg4[%add3A_146, %dma_start3A_150] : memref<9216x256xf32, #tpu.memory_space<hbm>> -> memref<96x256xf32, #tpu.memory_space<hbm>>
    %dma_start3A_152 = arith.constant 0 : i32
    %dma_start3A_153 = tpu.memref_slice %arg4[%add3A_146, %dma_start3A_152] : memref<9216x256xf32, #tpu.memory_space<hbm>> -> memref<96x256xf32, #tpu.memory_space<hbm>>
    %dma_start3A_154 = arith.constant 192 : i32
    %dma_start3A_155 = arith.constant 0 : i32
    %dma_start3A_156 = tpu.memref_slice %arg6[%dma_start3A_154, %dma_start3A_155] : memref<288x256xf32, #tpu.memory_space<vmem>> -> memref<96x256xf32, #tpu.memory_space<vmem>>
    tpu.enqueue_dma source(%dma_start3A_156 : memref<96x256xf32, #tpu.memory_space<vmem>>) target(%dma_start3A_153 : memref<96x256xf32, #tpu.memory_space<hbm>>) target_semaphore(%arg9 : memref<!tpu.dma_semaphore, #tpu.memory_space<semaphore_mem>>)
    %dma_wait3A_157 = arith.constant 0 : i32
    %dma_wait3A_158 = arith.constant 0 : i32
    %dma_wait3A_159 = tpu.memref_slice %arg6[%dma_wait3A_157, %dma_wait3A_158] : memref<288x256xf32, #tpu.memory_space<vmem>> -> memref<96x256xf32, #tpu.memory_space<vmem>>
    %dma_wait3A_160 = arith.constant 0 : i32
    %dma_wait3A_161 = tpu.memref_slice %arg4[%add3A_102, %dma_wait3A_160] : memref<9216x256xf32, #tpu.memory_space<hbm>> -> memref<96x256xf32, #tpu.memory_space<hbm>>
    %dma_wait3A_162 = arith.constant 0 : i32
    %dma_wait3A_163 = tpu.memref_slice %arg4[%add3A_102, %dma_wait3A_162] : memref<9216x256xf32, #tpu.memory_space<hbm>> -> memref<96x256xf32, #tpu.memory_space<hbm>>
    %dma_wait3A_164 = arith.constant 0 : i32
    %dma_wait3A_165 = arith.constant 0 : i32
    %dma_wait3A_166 = tpu.memref_slice %arg6[%dma_wait3A_164, %dma_wait3A_165] : memref<288x256xf32, #tpu.memory_space<vmem>> -> memref<96x256xf32, #tpu.memory_space<vmem>>
    tpu.wait_dma2 semaphore(%arg9 : memref<!tpu.dma_semaphore, #tpu.memory_space<semaphore_mem>>) src(%dma_wait3A_166 : memref<96x256xf32, #tpu.memory_space<vmem>>) dst(%dma_wait3A_163 : memref<96x256xf32, #tpu.memory_space<hbm>>)
    %dma_wait3A_167 = arith.constant 96 : i32
    %dma_wait3A_168 = arith.constant 0 : i32
    %dma_wait3A_169 = tpu.memref_slice %arg6[%dma_wait3A_167, %dma_wait3A_168] : memref<288x256xf32, #tpu.memory_space<vmem>> -> memref<96x256xf32, #tpu.memory_space<vmem>>
    %dma_wait3A_170 = arith.constant 0 : i32
    %dma_wait3A_171 = tpu.memref_slice %arg4[%add3A_124, %dma_wait3A_170] : memref<9216x256xf32, #tpu.memory_space<hbm>> -> memref<96x256xf32, #tpu.memory_space<hbm>>
    %dma_wait3A_172 = arith.constant 0 : i32
    %dma_wait3A_173 = tpu.memref_slice %arg4[%add3A_124, %dma_wait3A_172] : memref<9216x256xf32, #tpu.memory_space<hbm>> -> memref<96x256xf32, #tpu.memory_space<hbm>>
    %dma_wait3A_174 = arith.constant 96 : i32
    %dma_wait3A_175 = arith.constant 0 : i32
    %dma_wait3A_176 = tpu.memref_slice %arg6[%dma_wait3A_174, %dma_wait3A_175] : memref<288x256xf32, #tpu.memory_space<vmem>> -> memref<96x256xf32, #tpu.memory_space<vmem>>
    tpu.wait_dma2 semaphore(%arg9 : memref<!tpu.dma_semaphore, #tpu.memory_space<semaphore_mem>>) src(%dma_wait3A_176 : memref<96x256xf32, #tpu.memory_space<vmem>>) dst(%dma_wait3A_173 : memref<96x256xf32, #tpu.memory_space<hbm>>)
    %dma_wait3A_177 = arith.constant 192 : i32
    %dma_wait3A_178 = arith.constant 0 : i32
    %dma_wait3A_179 = tpu.memref_slice %arg6[%dma_wait3A_177, %dma_wait3A_178] : memref<288x256xf32, #tpu.memory_space<vmem>> -> memref<96x256xf32, #tpu.memory_space<vmem>>
    %dma_wait3A_180 = arith.constant 0 : i32
    %dma_wait3A_181 = tpu.memref_slice %arg4[%add3A_146, %dma_wait3A_180] : memref<9216x256xf32, #tpu.memory_space<hbm>> -> memref<96x256xf32, #tpu.memory_space<hbm>>
    %dma_wait3A_182 = arith.constant 0 : i32
    %dma_wait3A_183 = tpu.memref_slice %arg4[%add3A_146, %dma_wait3A_182] : memref<9216x256xf32, #tpu.memory_space<hbm>> -> memref<96x256xf32, #tpu.memory_space<hbm>>
    %dma_wait3A_184 = arith.constant 192 : i32
    %dma_wait3A_185 = arith.constant 0 : i32
    %dma_wait3A_186 = tpu.memref_slice %arg6[%dma_wait3A_184, %dma_wait3A_185] : memref<288x256xf32, #tpu.memory_space<vmem>> -> memref<96x256xf32, #tpu.memory_space<vmem>>
    tpu.wait_dma2 semaphore(%arg9 : memref<!tpu.dma_semaphore, #tpu.memory_space<semaphore_mem>>) src(%dma_wait3A_186 : memref<96x256xf32, #tpu.memory_space<vmem>>) dst(%dma_wait3A_183 : memref<96x256xf32, #tpu.memory_space<hbm>>)
    return
  }
}

module attributes {stable_mosaic.version = 14 : i64} {
  func.func @_dist_argmin_body(%arg0: i32, %arg1: memref<2304x256xf32, #tpu.memory_space<vmem>>, %arg2: memref<1024x256xf32, #tpu.memory_space<vmem>>, %arg3: memref<2304x1024xf32, #tpu.memory_space<vmem>>, %arg4: memref<1x1x2304xi32, #tpu.memory_space<vmem>>, %arg5: memref<1x1024xf32, #tpu.memory_space<vmem>>) attributes {dimension_semantics = [#tpu.dimension_semantics<arbitrary>], iteration_bounds = array<i64: 4>, scalar_prefetch = 0 : i64, scratch_operands = 1 : i64, tpu.core_type = #tpu.core_type<tc>, window_params = [{transform_indices = @transform_0, window_bounds = array<i64: 2304, 256>}, {pipeline_mode = #tpu.pipeline_mode<synchronous>, transform_indices = @transform_1, window_bounds = array<i64: 1024, 256>}, {transform_indices = @transform_2, window_bounds = array<i64: 2304, 1024>}, {transform_indices = @transform_3, window_bounds = array<i64: 1, 1, 2304>}]} {
    %eq3A = arith.constant 0 : i32
    %eq3A_0 = arith.cmpi eq, %arg0, %eq3A : i32
    %convert_element_type3A = arith.extui %eq3A_0 : i1 to i32
    %cond3A = arith.constant 0 : i32
    %cond3A_1 = arith.cmpi ne, %convert_element_type3A, %cond3A : i32
    scf.if %cond3A_1 {
      %get3A_37 = arith.constant 0 : index
      %get3A_38 = arith.constant 0 : index
      %get3A_39 = vector.load %arg2[%get3A_37, %get3A_38] : memref<1024x256xf32, #tpu.memory_space<vmem>>, vector<1024x256xf32>
      %mul3A_40 = arith.mulf %get3A_39, %get3A_39 : vector<1024x256xf32>
      %reduce_sum3A_41 = arith.constant dense<0.000000e+00> : vector<1024xf32>
      %reduce_sum3A_42 = vector.multi_reduction <add>, %mul3A_40, %reduce_sum3A_41 [1] : vector<1024x256xf32> to vector<1024xf32>
      %broadcast_in_dim3A_43 = vector.shape_cast %reduce_sum3A_42 : vector<1024xf32> to vector<1x1024xf32>
      %swap3A_44 = arith.constant 0 : index
      %swap3A_45 = arith.constant 0 : index
      %swap3A_46 = vector.load %arg5[%swap3A_44, %swap3A_45] : memref<1x1024xf32, #tpu.memory_space<vmem>>, vector<1x1024xf32>
      tpu.vector_store %arg5[%swap3A_44, %swap3A_45], %broadcast_in_dim3A_43 {strides = array<i32>} : memref<1x1024xf32, #tpu.memory_space<vmem>>, vector<1x1024xf32>,
    } else {
    }
    %get3A = arith.constant 0 : index
    %get3A_2 = arith.constant 0 : index
    %get3A_3 = vector.load %arg1[%get3A, %get3A_2] : memref<2304x256xf32, #tpu.memory_space<vmem>>, vector<2304x256xf32>
    %mul3A = arith.constant -2.000000e+00 : f32
    %mul3A_4 = vector.broadcast %mul3A : f32 to vector<2304x256xf32>
    %mul3A_5 = arith.mulf %get3A_3, %mul3A_4 : vector<2304x256xf32>
    %mul3A_6 = arith.mulf %mul3A_5, %mul3A_5 : vector<2304x256xf32>
    %reduce_sum3A = arith.constant dense<0.000000e+00> : vector<2304xf32>
    %reduce_sum3A_7 = vector.multi_reduction <add>, %mul3A_6, %reduce_sum3A [1] : vector<2304x256xf32> to vector<2304xf32>
    %broadcast_in_dim3A = vector.shape_cast %reduce_sum3A_7 : vector<2304xf32> to vector<2304x1xf32>
    %mul3A_8 = arith.constant 2.500000e-01 : f32
    %mul3A_9 = vector.broadcast %mul3A_8 : f32 to vector<2304x1xf32>
    %mul3A_10 = arith.mulf %mul3A_9, %broadcast_in_dim3A : vector<2304x1xf32>
    %get3A_11 = arith.constant 0 : index
    %get3A_12 = arith.constant 0 : index
    %get3A_13 = vector.load %arg2[%get3A_11, %get3A_12] : memref<1024x256xf32, #tpu.memory_space<vmem>>, vector<1024x256xf32>
    %dot_general3A = arith.constant dense<0.000000e+00> : vector<2304x1024xf32>
    %dot_general3A_14 = tpu.matmul %mul3A_5, %get3A_13, %dot_general3A {dimension_numbers = #tpu.dot_dimension_numbers<[1], [1], [0], [0], [0, 0, 1, 0], [], []>, transpose_lhs_hint = false} : vector<2304x256xf32>, vector<1024x256xf32>, vector<2304x1024xf32> -> vector<2304x1024xf32>
    %add3A = vector.broadcast %mul3A_10 : vector<2304x1xf32> to vector<2304x1024xf32>
    %add3A_15 = arith.addf %dot_general3A_14, %add3A : vector<2304x1024xf32>
    %get3A_16 = arith.constant 0 : index
    %get3A_17 = arith.constant 0 : index
    %get3A_18 = vector.load %arg5[%get3A_16, %get3A_17] : memref<1x1024xf32, #tpu.memory_space<vmem>>, vector<1x1024xf32>
    %add3A_19 = vector.broadcast %get3A_18 : vector<1x1024xf32> to vector<2304x1024xf32>
    %add3A_20 = arith.addf %add3A_15, %add3A_19 : vector<2304x1024xf32>
    %swap3A = arith.constant 0 : index
    %swap3A_21 = arith.constant 0 : index
    %swap3A_22 = vector.load %arg3[%swap3A, %swap3A_21] : memref<2304x1024xf32, #tpu.memory_space<vmem>>, vector<2304x1024xf32>
    tpu.vector_store %arg3[%swap3A, %swap3A_21], %add3A_20 {strides = array<i32>} : memref<2304x1024xf32, #tpu.memory_space<vmem>>, vector<2304x1024xf32>,
    %reduce_min3A = arith.constant dense<0x7F800000> : vector<2304xf32>
    %reduce_min3A_23 = vector.multi_reduction <minimumf>, %add3A_20, %reduce_min3A [1] : vector<2304x1024xf32> to vector<2304xf32>
    %broadcast_in_dim3A_24 = vector.shape_cast %reduce_min3A_23 : vector<2304xf32> to vector<2304x1xf32>
    %iota3A = tpu.iota {dimensions = array<i32: 1>} : vector<2304x1024xi32>
    %convert_element_type3A_25 = arith.sitofp %iota3A : vector<2304x1024xi32> to vector<2304x1024xf32>
    %eq3A_26 = vector.broadcast %broadcast_in_dim3A_24 : vector<2304x1xf32> to vector<2304x1024xf32>
    %eq3A_27 = arith.cmpf oeq, %add3A_20, %eq3A_26 : vector<2304x1024xf32>
    %jit3A = arith.constant 1.024000e+03 : f32
    %broadcast_in_dim3A_28 = vector.broadcast %jit3A : f32 to vector<2304x1024xf32>
    %select_n3A = arith.select %eq3A_27, %convert_element_type3A_25, %broadcast_in_dim3A_28 : vector<2304x1024xi1>, vector<2304x1024xf32>
    %reduce_min3A_29 = arith.constant dense<0x7F800000> : vector<2304xf32>
    %reduce_min3A_30 = vector.multi_reduction <minimumf>, %select_n3A, %reduce_min3A_29 [1] : vector<2304x1024xf32> to vector<2304xf32>
    %broadcast_in_dim3A_31 = vector.shape_cast %reduce_min3A_30 : vector<2304xf32> to vector<2304x1xf32>
    %convert_element_type3A_32 = arith.fptosi %broadcast_in_dim3A_31 : vector<2304x1xf32> to vector<2304x1xi32>
    %transpose3A = tpu.transpose %convert_element_type3A_32, [1, 0] : vector<2304x1xi32> -> vector<1x2304xi32>
    %reshape3A = vector.shape_cast %transpose3A : vector<1x2304xi32> to vector<1x1x2304xi32>
    %swap3A_33 = arith.constant 0 : index
    %swap3A_34 = arith.constant 0 : index
    %swap3A_35 = arith.constant 0 : index
    %swap3A_36 = vector.load %arg4[%swap3A_33, %swap3A_34, %swap3A_35] : memref<1x1x2304xi32, #tpu.memory_space<vmem>>, vector<1x1x2304xi32>
    tpu.vector_store %arg4[%swap3A_33, %swap3A_34, %swap3A_35], %reshape3A {strides = array<i32>} : memref<1x1x2304xi32, #tpu.memory_space<vmem>>, vector<1x1x2304xi32>,
    return
  }
  func.func @transform_0(%arg0: i32) -> (i32, i32) {
    %c0_i32 = arith.constant 0 : i32
    %c0_i32_0 = arith.constant 0 : i32
    return %arg0, %c0_i32 : i32, i32
  }
  func.func @transform_1(%arg0: i32) -> (i32, i32) {
    %c0_i32 = arith.constant 0 : i32
    %c0_i32_0 = arith.constant 0 : i32
    %c0_i32_1 = arith.constant 0 : i32
    return %c0_i32, %c0_i32_0 : i32, i32
  }
  func.func @transform_2(%arg0: i32) -> (i32, i32) {
    %c0_i32 = arith.constant 0 : i32
    %c0_i32_0 = arith.constant 0 : i32
    return %arg0, %c0_i32 : i32, i32
  }
  func.func @transform_3(%arg0: i32) -> (i32, i32, i32) {
    %c0_i32 = arith.constant 0 : i32
    %c0_i32_0 = arith.constant 0 : i32
    %c0_i32_1 = arith.constant 0 : i32
    return %arg0, %c0_i32, %c0_i32_0 : i32, i32, i32
  }
}

</mosaic_0001>

<sc_bundles>
// kernel: kernel.4.cloned.1.call-start
scs
__scs_entry_jumppad:
0x0: {  	(pc) =	sbr.rel $0x88, $3  }
0x1: {  	(tag) =	ssettag $0x0;
	lr =	simm.s32 $0x1  }
0x2: {  	[smem:$0x3F9F] =	sst lr;
	_ =	strace $0xD0000000  }
0x3: {  	_ = 	snop  }
0x4: {  	_ = 	snop  }
0x5: {  	_ = 	snop  }
0x6: {  	_ = 	snop  }
0x7: {  	_ = 	snop  }
__scs_overlays_trampoline_lowered:
0x8: {  	[smem:$0x3FAE] =	sst s0  }
0x9: {  	[smem:$0x3FAF] =	sst s1  }
0xa: {  	[smem:$0x3FB0] =	sst s2  }
0xb: {  	[smem:$0x3FB1] =	sst s3  }
0xc: {  	[smem:$0x3FB2] =	sst s4  }
0xd: {  	[smem:$0x3FB3] =	sst s5  }
0xe: {  	[smem:$0x3FB4] =	sst s6  }
0xf: {  	[smem:$0x3FB5] =	sst s7  }
0x10: {  	[smem:$0x3FB6] =	sst s8  }
0x11: {  	[smem:$0x3FB7] =	sst s9;
	s0 =	simm.s32 @!p0 $0x0  }
0x12: {  	s1 =	sld [smem:$0x3F9D];
	s0 =	simm.s32 @p0 $0x1  }
0x13: {  	[smem:$0x3FB8] =	sst s0;
	s0 =	simm.s32 @!p1 $0x0  }
0x14: {  	s2 =	sld [smem:$0x3F9C];
	s0 =	simm.s32 @p1 $0x1  }
0x15: {  	[smem:$0x3FB9] =	sst s0;
	s0 =	simm.s32 @!p2 $0x0  }
0x16: {  	s3 =	sld [smem:$0x3FDB];
	s0 =	simm.s32 @p2 $0x1  }
0x17: {  	s4 =	simm.s32 $0x1BF5;
	[smem:$0x3FBB] =	sst s0  }
0x18: {  	s0 =	sld [smem:$0x3F9E];
	_ =	swait.ge [sflag:s4], $0x0  }
0x19: {  	s7 =	sld [smem:$0x3F9F]  }
0x1a: {  	s8 =	sadd.s32 $0xFFFFE003, lr  }
0x1b: {  	s9 =	sadd.s32 $0xFFFFFEF7, lr;
	s5 =	simm.s32 $0xFFFFFFFF;
	p2 =	slt.u32 s8, $0xFFFFF086  }
0x1c: {  	p1 =	slt.u32 s9, $0xF7A;
	s5 =	simm.s32 @!p2 $0x0  }
0x1d: {  	s5 =	simm.s32 @p1 $0x1;
	p0 =	seq.s32 s7, s2  }
0x1e: {  	s7 =	smul.u32 @!p0 $0xF7A, s2;
	p2 =	seq.s32 @!p0 s5, $0x0  }
0x1f: {  	s9 =	smul.u32 $0xF7A, s1;
	s8 =	simm.s32 @!p0 $0x1BF5;
	p2 =	por !p2, p0  }
0x20: {  	[sflag:s8] =	ssyncset.s32 @!p0 $0xFFFFF086;
	s6 =	sadd.s32 @!p0 s3, s7;
	s7 =	simm.s32 @!p0 $0x108  }
0x21: {  	s3 =	sadd.s32 s3, s9;
	s6 =	sadd.s32 @!p0 $0x88, s6;
	s7 =	simm.s32 @p2 $0x1082  }
0x22: {  	[simem:s7], [sflag:s8] =	dma.local @!p0 [hbm:s6], $0xF7A  }
0x23: {  	s9 =	sor.u32 $0xD0000000, s2;
	s6 =	simm.s32 $0x108;
	_ =	swait.ge @!p0 [sflag:s8], $0x0  }
0x24: {  	s3 =	sadd.s32 $0x88, s3;
	s6 =	simm.s32 @!p1 $0x1082;
	[sflag:s4] =	ssyncset.s32 $0xFFFFF086  }
0x25: {  	[simem:s6], [sflag:s4] =	dma.local [hbm:s3], $0xF7A  }
0x26: {  	[smem:$0x3F9F] =	sst s1;
	(tag) =	ssettag s2;
	_ =	strace s9  }
0x27: {  	s1 =	sld [smem:$0x3FAF]  }
0x28: {  	s2 =	sld [smem:$0x3FB0]  }
0x29: {  	s4 =	sld [smem:$0x3FB2]  }
0x2a: {  	p0 =	seq.s32 s5, $0x0;
	s5 =	sld [smem:$0x3FB3]  }
0x2b: {  	s6 =	sld [smem:$0x3FB4]  }
0x2c: {  	s7 =	sld [smem:$0x3FB5]  }
0x2d: {  	s3 =	simm.s32 $0x108;
	s8 =	sld [smem:$0x3FB6]  }
0x2e: {  	s3 =	simm.s32 @!p0 $0x1082;
	s9 =	sld [smem:$0x3FB7]  }
0x2f: {  	lr =	sadd.s32 s0, s3;
	s0 =	sld [smem:$0x3FAE]  }
0x30: {  	s3 =	sld [smem:$0x3FB1]  }
0x31: {  	[smem:$0x3FBA] =	sst s10  }
0x32: {  	s10 =	sld [smem:$0x3FB8];
	_ =	sdelay $0x3  }
0x33: {  	p0 =	seq.s32 s10, $0x1;
	s10 =	sld [smem:$0x3FBA];
	_ =	sdelay $0x3  }
0x34: {  	[smem:$0x3FBA] =	sst s10  }
0x35: {  	s10 =	sld [smem:$0x3FB9];
	_ =	sdelay $0x3  }
0x36: {  	p1 =	seq.s32 s10, $0x1;
	s10 =	sld [smem:$0x3FBA];
	_ =	sdelay $0x3  }
0x37: {  	[smem:$0x3FBA] =	sst s10  }
0x38: {  	s10 =	sld [smem:$0x3FBB]  }
0x39: {  	_ = 	snop;
	(pc) =	sbr.ind lr, $3  }
0x3a: {  	_ = 	snop  }
0x3b: {  	_ = 	snop  }
0x3c: {  	p2 =	seq.s32 s10, $0x1;
	s10 =	sld [smem:$0x3FBA]  }
0x3d: {  	_ =	shalt  }
0x3e: {  	_ =	shalt  }
0x3f: {  	_ =	shalt  }
0x40: {  	_ =	shalt  }
0x41: {  	_ =	shalt  }
0x42: {  	_ =	shalt  }
0x43: {  	_ =	shalt  }
0x44: {  	_ =	shalt  }
0x45: {  	_ =	shalt  }
0x46: {  	_ =	shalt  }
0x47: {  	_ =	shalt  }
0x48: {  	_ =	shalt  }
0x49: {  	_ =	shalt  }
0x4a: {  	_ =	shalt  }
0x4b: {  	_ =	shalt  }
0x4c: {  	_ =	shalt  }
0x4d: {  	_ =	shalt  }
0x4e: {  	_ =	shalt  }
0x4f: {  	_ =	shalt  }
0x50: {  	_ =	shalt  }
0x51: {  	_ =	shalt  }
0x52: {  	_ =	shalt  }
0x53: {  	_ =	shalt  }
0x54: {  	_ =	shalt  }
0x55: {  	_ =	shalt  }
0x56: {  	_ =	shalt  }
0x57: {  	_ =	shalt  }
0x58: {  	_ =	shalt  }
0x59: {  	_ =	shalt  }
0x5a: {  	_ =	shalt  }
0x5b: {  	_ =	shalt  }
0x5c: {  	_ =	shalt  }
0x5d: {  	_ =	shalt  }
0x5e: {  	_ =	shalt  }
0x5f: {  	_ =	shalt  }
0x60: {  	_ =	shalt  }
0x61: {  	_ =	shalt  }
0x62: {  	_ =	shalt  }
0x63: {  	_ =	shalt  }
0x64: {  	_ =	shalt  }
0x65: {  	_ =	shalt  }
0x66: {  	_ =	shalt  }
0x67: {  	_ =	shalt  }
0x68: {  	_ =	shalt  }
0x69: {  	_ =	shalt  }
0x6a: {  	_ =	shalt  }
0x6b: {  	_ =	shalt  }
0x6c: {  	_ =	shalt  }
0x6d: {  	_ =	shalt  }
0x6e: {  	_ =	shalt  }
0x6f: {  	_ =	shalt  }
0x70: {  	_ =	shalt  }
0x71: {  	_ =	shalt  }
0x72: {  	_ =	shalt  }
0x73: {  	_ =	shalt  }
0x74: {  	_ =	shalt  }
0x75: {  	_ =	shalt  }
0x76: {  	_ =	shalt  }
0x77: {  	_ =	shalt  }
0x78: {  	_ =	shalt  }
0x79: {  	_ =	shalt  }
0x7a: {  	_ =	shalt  }
0x7b: {  	_ =	shalt  }
0x7c: {  	_ =	shalt  }
0x7d: {  	_ =	shalt  }
0x7e: {  	_ =	shalt  }
0x7f: {  	_ =	shalt  }
0x80: {  	_ =	shalt  }
0x81: {  	_ =	shalt  }
0x82: {  	_ =	shalt  }
0x83: {  	_ =	shalt  }
0x84: {  	_ =	shalt  }
0x85: {  	_ =	shalt  }
0x86: {  	_ =	shalt  }
0x87: {  	_ =	shalt  }
.Lfunc_end0:
.L_simem_size_0:
called_computation_lowered:
.L_overlay_start_0:
0x88: {  	s2 =	sld [smem:$0x3FD9]  }
0x89: {  	s3 =	sld [smem:$0x3FFE];
	_ =	sdelay $0x1  }
0x8a: {  	s1 =	srdreg.scid  }
0x8b: {  	s0 =	sand.u32 $0x1, s1  }
0x8c: {  	s14 =	sshll.u32 s0, $0xA;
	s2 =	sadd.s32 s3, s2  }
0x8d: {  	s2 =	sadd.s32 s2, s14  }
0x8e: {  	[smem:$0x3FC6] =	sst s2  }
0x8f: {  	_ = 	snop  }
0x90: {  	s2 =	sld [smem:$0x3FD0];
	_ =	sdelay $0x2  }
0x91: {  	s4 =	simm.s32 $0xA;
	s5 =	simm.s32 $0x10;
	s15 =	sld [smem:$0x3FC8]  }
0x92: {  	[smem:s5], [sflag:s4] =	dma.local [hbm:s2], $0x1  }
0x93: {  	_ =	swait.eq [sflag:s4], $0x1  }
0x94: {  	[sflag:s4] =	ssyncset.done $0x0  }
0x95: {  	[sflag:s4] =	ssyncadd.s32 $0xFFFFFFFF  }
0x96: {  	s16 =	sld [smem:$0x10];
	(tm) =	ssettm $0x1  }
0x97: {  	s17 =	sld [smem:$0x3FFB];
	_ =	sdelay $0x3  }
0x98: {  	_ =	strace s17  }
0x99: {  	s4 =	sld [smem:$0x3FFC];
	_ =	sdelay $0x3  }
0x9a: {  	_ =	strace s4  }
0x9b: {  	s4 =	sld [smem:$0x3FFD];
	_ =	sdelay $0x3  }
0x9c: {  	_ =	strace s4  }
0x9d: {  	_ =	strace $0x8FFFFFFF  }
0x9e: {  	s18 =	sld [smem:$0x3FDB];
	_ =	sdelay $0x1  }
0x9f: {  	s19 =	simm.s32 $_scs_section_size  }
0xa0: {  	s6 =	simm.s32 $_size__tile_overlayer_lowered;
	s7 =	simm.s32 $_tile_overlayer_lowered  }
0xa1: {  	s22 =	simm.s32 $0x1BFF;
	s21 =	sshll.u32 s7, $0x1;
	s4 =	sadd.s32 s19, s18  }
0xa2: {  	s8 =	simm.s32 $0x0;
	s20 =	sshll.u32 s6, $0x1;
	s6 =	sadd.s32 s21, s4  }
0xa3: {  	[timem:s8], [sflag:s22] =	dma.local [hbm:s6], s20  }
0xa4: {  	_ =	swait.ge [sflag:s22], s20  }
0xa5: {  	s5 =	ssub.s32 $0x0, s20;
	[sflag:s22] =	ssyncset.done $0x0  }
0xa6: {  	[sflag:s22] =	ssyncadd.s32 s5;
	_ =	sdelay $0x1  }
0xa7: {  	s23 =	simm.s32 $0x1B8B  }
0xa8: {  	_ =	swait.ge [sflag:s23], $0x1  }
0xa9: {  	[sflag:s23] =	ssyncset.done $0x0  }
0xaa: {  	s25 =	simm.s32 $0x1B8E;
	s24 =	sld [smem:$0x3FFE];
	[sflag:s23] =	ssyncadd.s32 $0xFFFFFFFF  }
0xab: {  	s26 =	simm.s32 $execute0_lowered;
	[smem:$0x3FD2] =	sst s25  }
0xac: {  	s6 =	sshll.u32 s26, $0x1;
	_ =	strace $0x80000046;
	[dreg:$0x1] =	wrdreg $0xFFFFFFFF  }
0xad: {  	s28 =	simm.s32 $_size_execute0_lowered;
	s4 =	sadd.s32 s4, s6;
	[dreg:$0x0] =	wrdreg $0x0  }
0xae: {  	s6 =	sshll.u32 s28, $0x1;
	[dreg:$0x2] =	wrdreg s4  }
0xaf: {  	[dreg:$0x3] =	wrdreg s6  }
0xb0: {  	[dreg:$0x4] =	wrdreg $0xC0  }
0xb1: {  	_ =	task [dreg:s8], $0x5FFFF  }
0xb2: {  	[dreg:$0x1] =	wrdreg $0xFFFFFFFF  }
0xb3: {  	[dreg:$0x0] =	wrdreg $0x60  }
0xb4: {  	[dreg:$0x2] =	wrdreg s24  }
0xb5: {  	[dreg:$0x3] =	wrdreg s15  }
0xb6: {  	[dreg:$0x4] =	wrdreg s16  }
0xb7: {  	[dreg:$0x5] =	wrdreg $0x9  }
0xb8: {  	_ =	task.clear_ibuf [dreg:s8], $0x6FFFF;
	_ =	strace $0x90000046  }
0xb9: {  	s29 =	simm.s32 $0x9;
	_ =	strace $0x80000048  }
0xba: {  	_ =	swait.ge [sflag:s29], $0x1  }
0xbb: {  	[sflag:s29] =	ssyncadd.s32 $0xFFFFFFFF  }
0xbc: {  	_ =	strace $0x90000048  }
0xbd: {  	_ =	sfence  }
0xbe: {  	s30 =	sld [smem:$0x0];
	_ =	sdelay $0x2  }
0xbf: {  	s31 =	sshll.u32 s1, $0xD;
	s1 =	sshrl.u32 s1, $0x2  }
0xc0: {  	s3 =	sand.u32 $0x4000, s31;
	s1 =	sadd.s32 s1, s30  }
0xc1: {  	s0 =	sor.u32 s3, s0;
	s1 =	sshll.u32 s1, $0x11  }
0xc2: {  	s0 =	sor.u32 s1, s0  }
0xc3: {  	s0 =	sadd.s32 $0x8F2B, s0  }
0xc4: {  	[sflag:s0] =	ssyncadd.remote.s32 $0x1  }
0xc5: {  	_ =	sfence.sel $0xFFFF  }
0xc6: {  	[dreg:$0x0] =	wrdreg $0xFFFFFFFF;
	(pc) =	sbr.abs _section_cstart, $3  }
0xc7: {  	[dreg:$0x1] =	wrdreg $0xFFFFFFFF  }
0xc8: {  	_ =	task.clear_ibuf [dreg:s8], $0x2FFFF;
	_ =	strace $0x9FFFFFFF  }
0xc9: {  	(tm) =	ssettm $0x7FFFFFFF  }
tec
execute0_lowered:
.L_overlay_start_1:
0x0: {  	(tag) =	ssettag $0x1  }
0x1: {  	s1 =	srdreg.scid  }
0x2: {  	s0 =	stileid.u32;
	s4 =	rddreg [dreg:$0x0]  }
0x3: {  	s2 =	rddreg [dreg:$0x1];
	s1 =	sand.u32 $0x1, s1;
	s3 =	sshll.u32 s0, $0x1  }
0x4: {  	s6 =	rddreg [dreg:$0x2];
	s5 =	sor.u32 s1, s3;
	s3 =	simm.s32 $0x0  }
0x5: {  	s12 =	simm.s32 $0x80;
	[smem:$0x7FF] =	sst s3  }
0x6: {  	s13 =	simm.s32 $0x100;
	_ =	strace $0x80000047;
	[dreg:$0xa] =	wrdreg s12  }
0x7: {  	s14 =	simm.s32 $0xA00;
	[dreg:$0xb] =	wrdreg s13  }
0x8: {  	s15 =	simm.s32 $0x1200;
	[dreg:$0xc] =	wrdreg s14  }
0x9: {  	s16 =	simm.s32 $0x1A00;
	[dreg:$0xd] =	wrdreg s15  }
0xa: {  	s17 =	simm.s32 $0x2200;
	s18 =	simm.s32 $0x2A00;
	[dreg:$0xe] =	wrdreg s16  }
0xb: {  	s19 =	simm.s32 $0x3200;
	s20 =	simm.s32 $0x3A00;
	[dreg:$0xf] =	wrdreg s17  }
0xc: {  	s21 =	simm.s32 $0x4200;
	s23 =	simm.s32 $0x4A00;
	[dreg:$0x10] =	wrdreg s18  }
0xd: {  	s24 =	simm.s32 $0x5200;
	s25 =	simm.s32 $0x5A00;
	[dreg:$0x11] =	wrdreg s19  }
0xe: {  	s26 =	simm.s32 $0x6A00;
	s28 =	simm.s32 $0x10A00;
	[dreg:$0x12] =	wrdreg s20  }
0xf: {  	s29 =	simm.s32 $0x11200;
	s30 =	simm.s32 $0x11A00;
	[dreg:$0x13] =	wrdreg s21  }
0x10: {  	s31 =	simm.s32 $0x2;
	s4 =	sadd.s32 $0xC00, s4;
	[dreg:$0x14] =	wrdreg s23  }
0x11: {  	s1 =	ssub.s32 $0x2, s1;
	s7 =	smul.u32 $0x120, s5;
	[dreg:$0x15] =	wrdreg s24  }
0x12: {  	s5 =	smul.u32 $0x2400, s5;
	s22 =	sshrl.u32 s1, $0x1;
	[dreg:$0x16] =	wrdreg s25  }
0x13: {  	s1 =	ssub.s32 s1, s22;
	[dreg:$0x17] =	wrdreg s26;
	s12 =	simm.s32 $0x9200  }
0x14: {  	s13 =	simm.s32 $0x9A00;
	s14 =	simm.s32 $0xA200;
	s15 =	simm.s32 $0xAA00  }
0x15: {  	s16 =	simm.s32 $0xB200;
	s17 =	simm.s32 $0xBA00;
	s18 =	simm.s32 $0xC200  }
0x16: {  	s19 =	simm.s32 $0xCA00;
	s20 =	simm.s32 $0xD200;
	s21 =	simm.s32 $0xDA00  }
0x17: {  	s22 =	simm.s32 $0xE200;
	s23 =	simm.s32 $0xEA00;
	s24 =	simm.s32 $0xF200  }
0x18: {  	s25 =	simm.s32 $0xFA00;
	s26 =	simm.s32 $0x10200;
	s8 =	sshrl.u32 s7, $0x3  }
0x19: {  	s9 =	sadd.s32 $0x60, s7;
	s7 =	sadd.s32 $0xC0, s7;
	s5 =	sadd.s32 s6, s5  }
0x1a: {  	s8 =	sadd.s32 s4, s8;
	s0 =	sshrl.u32 s9, $0x3;
	[dreg:$0x7] =	wrdreg s5  }
0x1b: {  	s10 =	sshrl.u32 s7, $0x3;
	[dreg:$0x4] =	wrdreg s8;
	s8 =	sadd.s32 s4, s0  }
0x1c: {  	s5 =	simm.s32 $0x1;
	s4 =	sadd.s32 s4, s10;
	[dreg:$0x5] =	wrdreg s8  }
0x1d: {  	s10 =	sshll.u32 s7, $0x5;
	s7 =	simm.s32 $0x6200;
	[dreg:$0x6] =	wrdreg s4  }
0x1e: {  	v2 =	vlaneseq.u32;
	s8 =	sshll.u32 s9, $0x5;
	s11 =	sadd.s32 s6, s10;
	s4 =	smax.u32 s1, $0x1  }
0x1f: {  	vm0 =	vmmov $0xffff;
	v1 =	vshrl.u32 v2, $0x3;
	s1 =	simm.s32 $0x3;
	s9 =	sadd.s32 s6, s8;
	[dreg:$0x9] =	wrdreg s11  }
0x20: {  	v0 =	vand.u32 $0x7, v2;
	v2 =	vor.u32 $0x8, v2;
	v1 =	vmul.u32 $0x8, v1;
	s6 =	simm.s32 $0x200;
	s11 =	simm.s32 $0x8A00;
	[dreg:$0x8] =	wrdreg s9  }
.LBB2_1:
0x21: {  	s0 =	rddreg [dreg:$0x4]  }
0x22: {  	s8 =	rddreg [dreg:$0xa]  }
0x23: {  	s9 =	rddreg [dreg:$0x6]  }
0x24: {  	[tilespmem:s3], [sflag:$0x1] =	stream.linear.gather [hbm4b:s0+s3], $0x60, $0x38;
	[tilespmem:$0x12200] =	vst v63  }
0x25: {  	s0 =	rddreg [dreg:$0x5]  }
0x26: {  	[tilespmem:s8], [sflag:$0x1] =	stream.linear.gather [hbm4b:s0+s3], $0x60, $0x38;
	[tilespmem:$0x12200] =	vst v63  }
0x27: {  	s10 =	rddreg [dreg:$0xb]  }
0x28: {  	[tilespmem:s10], [sflag:$0x1] =	stream.linear.gather [hbm4b:s9+s3], $0x60, $0x38;
	[tilespmem:$0x12200] =	vst v63  }
0x29: {  	_ =	swait.ge [sflag:s5], $0x60  }
0x2a: {  	[sflag:s5] =	ssyncset.done $0x0  }
0x2b: {  	[sflag:s5] =	ssyncadd.s32 $0xFFFFFFA0  }
0x2c: {  	v3 =	vld [tilespmem:$0x0];
	_ =	sdelay $0x4  }
0x2d: {  	v4 =	vshll.u32 v3, $0x1  }
0x2e: {  	v3 =	vand.u32 $0x7, v3;
	v4 =	vand.u32 $0xFFFFFFF0, v4  }
0x2f: {  	v3 =	vor.u32 v3, v4  }
0x30: {  	v4 =	vperm.xlane v3, v0;
	_ =	sdelay $0x1  }
0x31: {  	v3 =	vperm.xlane v3, v2;
	v4 =	vadd.s32 v1, v4;
	_ =	sdelay $0x1  }
0x32: {  	v3 =	vadd.s32 v1, v3;
	_ =	sdelay $0x2  }
0x33: {  	[tilespmem:s6], [sflag:$0x2] =	stream.indirect_vreg.gather [hbm4b:s2+s3], $0x80, v4, vm0, $0xb8;
	[tilespmem:$0x12200] =	vst v63  }
0x34: {  	s8 =	rddreg [dreg:$0xc]  }
0x35: {  	[tilespmem:s8], [sflag:$0x2] =	stream.indirect_vreg.gather [hbm4b:s2+s3], $0x80, v3, vm0, $0xb8;
	[tilespmem:$0x12200] =	vst v63  }
0x36: {  	v3 =	vld [tilespmem:$0x10];
	_ =	sdelay $0x4  }
0x37: {  	v47 =	vshll.u32 v3, $0x1  }
0x38: {  	v3 =	vand.u32 $0x7, v3;
	v4 =	vand.u32 $0xFFFFFFF0, v47  }
0x39: {  	v3 =	vor.u32 v3, v4  }
0x3a: {  	v4 =	vperm.xlane v3, v0;
	_ =	sdelay $0x1  }
0x3b: {  	v3 =	vperm.xlane v3, v2;
	v4 =	vadd.s32 v1, v4;
	_ =	sdelay $0x1  }
0x3c: {  	v3 =	vadd.s32 v1, v3;
	_ =	sdelay $0x1  }
0x3d: {  	s9 =	rddreg [dreg:$0xd]  }
0x3e: {  	[tilespmem:s9], [sflag:$0x2] =	stream.indirect_vreg.gather [hbm4b:s2+s3], $0x80, v4, vm0, $0xb8;
	[tilespmem:$0x12200] =	vst v63  }
0x3f: {  	s10 =	rddreg [dreg:$0xe]  }
0x40: {  	[tilespmem:s10], [sflag:$0x2] =	stream.indirect_vreg.gather [hbm4b:s2+s3], $0x80, v3, vm0, $0xb8;
	[tilespmem:$0x12200] =	vst v63  }
0x41: {  	v3 =	vld [tilespmem:$0x20];
	_ =	sdelay $0x4  }
0x42: {  	v48 =	vshll.u32 v3, $0x1  }
0x43: {  	v3 =	vand.u32 $0x7, v3;
	v4 =	vand.u32 $0xFFFFFFF0, v48  }
0x44: {  	v3 =	vor.u32 v3, v4  }
0x45: {  	v4 =	vperm.xlane v3, v0;
	_ =	sdelay $0x1  }
0x46: {  	v3 =	vperm.xlane v3, v2;
	v4 =	vadd.s32 v1, v4;
	_ =	sdelay $0x1  }
0x47: {  	v3 =	vadd.s32 v1, v3;
	_ =	sdelay $0x1  }
0x48: {  	s9 =	rddreg [dreg:$0xf]  }
0x49: {  	[tilespmem:s9], [sflag:$0x2] =	stream.indirect_vreg.gather [hbm4b:s2+s3], $0x80, v4, vm0, $0xb8;
	[tilespmem:$0x12200] =	vst v63  }
0x4a: {  	s10 =	rddreg [dreg:$0x10]  }
0x4b: {  	[tilespmem:s10], [sflag:$0x2] =	stream.indirect_vreg.gather [hbm4b:s2+s3], $0x80, v3, vm0, $0xb8;
	[tilespmem:$0x12200] =	vst v63  }
0x4c: {  	v3 =	vld [tilespmem:$0x30];
	_ =	sdelay $0x4  }
0x4d: {  	v49 =	vshll.u32 v3, $0x1  }
0x4e: {  	v3 =	vand.u32 $0x7, v3;
	v4 =	vand.u32 $0xFFFFFFF0, v49  }
0x4f: {  	v3 =	vor.u32 v3, v4  }
0x50: {  	v4 =	vperm.xlane v3, v0;
	_ =	sdelay $0x1  }
0x51: {  	v3 =	vperm.xlane v3, v2;
	v4 =	vadd.s32 v1, v4;
	_ =	sdelay $0x1  }
0x52: {  	v3 =	vadd.s32 v1, v3;
	_ =	sdelay $0x1  }
0x53: {  	s9 =	rddreg [dreg:$0x11]  }
0x54: {  	[tilespmem:s9], [sflag:$0x2] =	stream.indirect_vreg.gather [hbm4b:s2+s3], $0x80, v4, vm0, $0xb8;
	[tilespmem:$0x12200] =	vst v63  }
0x55: {  	s10 =	rddreg [dreg:$0x12]  }
0x56: {  	[tilespmem:s10], [sflag:$0x2] =	stream.indirect_vreg.gather [hbm4b:s2+s3], $0x80, v3, vm0, $0xb8;
	[tilespmem:$0x12200] =	vst v63  }
0x57: {  	v3 =	vld [tilespmem:$0x40];
	_ =	sdelay $0x4  }
0x58: {  	v50 =	vshll.u32 v3, $0x1  }
0x59: {  	v3 =	vand.u32 $0x7, v3;
	v4 =	vand.u32 $0xFFFFFFF0, v50  }
0x5a: {  	v3 =	vor.u32 v3, v4  }
0x5b: {  	v4 =	vperm.xlane v3, v0;
	_ =	sdelay $0x1  }
0x5c: {  	v3 =	vperm.xlane v3, v2;
	v4 =	vadd.s32 v1, v4;
	_ =	sdelay $0x1  }
0x5d: {  	v3 =	vadd.s32 v1, v3;
	_ =	sdelay $0x1  }
0x5e: {  	s9 =	rddreg [dreg:$0x13]  }
0x5f: {  	[tilespmem:s9], [sflag:$0x2] =	stream.indirect_vreg.gather [hbm4b:s2+s3], $0x80, v4, vm0, $0xb8;
	[tilespmem:$0x12200] =	vst v63  }
0x60: {  	s10 =	rddreg [dreg:$0x14]  }
0x61: {  	[tilespmem:s10], [sflag:$0x2] =	stream.indirect_vreg.gather [hbm4b:s2+s3], $0x80, v3, vm0, $0xb8;
	[tilespmem:$0x12200] =	vst v63  }
0x62: {  	v3 =	vld [tilespmem:$0x50];
	_ =	sdelay $0x4  }
0x63: {  	v51 =	vshll.u32 v3, $0x1  }
0x64: {  	v3 =	vand.u32 $0x7, v3;
	v4 =	vand.u32 $0xFFFFFFF0, v51  }
0x65: {  	v3 =	vor.u32 v3, v4  }
0x66: {  	v4 =	vperm.xlane v3, v0;
	_ =	sdelay $0x1  }
0x67: {  	v3 =	vperm.xlane v3, v2;
	v4 =	vadd.s32 v1, v4;
	_ =	sdelay $0x1  }
0x68: {  	v3 =	vadd.s32 v1, v3;
	_ =	sdelay $0x1  }
0x69: {  	s8 =	rddreg [dreg:$0x15]  }
0x6a: {  	[tilespmem:s8], [sflag:$0x2] =	stream.indirect_vreg.gather [hbm4b:s2+s3], $0x80, v4, vm0, $0xb8;
	[tilespmem:$0x12200] =	vst v63  }
0x6b: {  	s9 =	rddreg [dreg:$0x16]  }
0x6c: {  	[tilespmem:s9], [sflag:$0x2] =	stream.indirect_vreg.gather [hbm4b:s2+s3], $0x80, v3, vm0, $0xb8;
	[tilespmem:$0x12200] =	vst v63  }
0x6d: {  	_ =	swait.ge [sflag:s5], $0x60  }
0x6e: {  	[sflag:s5] =	ssyncset.done $0x0  }
0x6f: {  	[sflag:s5] =	ssyncadd.s32 $0xFFFFFFA0  }
0x70: {  	v3 =	vld [tilespmem:$0x80];
	_ =	sdelay $0x4  }
0x71: {  	v52 =	vshll.u32 v3, $0x1  }
0x72: {  	v3 =	vand.u32 $0x7, v3;
	v4 =	vand.u32 $0xFFFFFFF0, v52  }
0x73: {  	v3 =	vor.u32 v3, v4  }
0x74: {  	v4 =	vperm.xlane v3, v0;
	_ =	sdelay $0x1  }
0x75: {  	v3 =	vperm.xlane v3, v2;
	v4 =	vadd.s32 v1, v4;
	_ =	sdelay $0x1  }
0x76: {  	v3 =	vadd.s32 v1, v3;
	_ =	sdelay $0x2  }
0x77: {  	[tilespmem:s7], [sflag:$0x2] =	stream.indirect_vreg.gather [hbm4b:s2+s3], $0x80, v4, vm0, $0xb8;
	[tilespmem:$0x12200] =	vst v63  }
0x78: {  	s10 =	rddreg [dreg:$0x17]  }
0x79: {  	[tilespmem:s10], [sflag:$0x2] =	stream.indirect_vreg.gather [hbm4b:s2+s3], $0x80, v3, vm0, $0xb8;
	[tilespmem:$0x12200] =	vst v63  }
0x7a: {  	v3 =	vld [tilespmem:$0x90];
	_ =	sdelay $0x4  }
0x7b: {  	v53 =	vshll.u32 v3, $0x1  }
0x7c: {  	v3 =	vand.u32 $0x7, v3;
	v4 =	vand.u32 $0xFFFFFFF0, v53  }
0x7d: {  	v3 =	vor.u32 v3, v4  }
0x7e: {  	v4 =	vperm.xlane v3, v0;
	_ =	sdelay $0x1  }
0x7f: {  	v3 =	vperm.xlane v3, v2;
	v4 =	vadd.s32 v1, v4;
	_ =	sdelay $0x1  }
0x80: {  	v3 =	vadd.s32 v1, v3;
	_ =	sdelay $0x1  }
0x81: {  	s8 =	simm.s32 $0x7200  }
0x82: {  	[tilespmem:s8], [sflag:$0x2] =	stream.indirect_vreg.gather [hbm4b:s2+s3], $0x80, v4, vm0, $0xb8;
	[tilespmem:$0x12200] =	vst v63  }
0x83: {  	s9 =	simm.s32 $0x7A00  }
0x84: {  	[tilespmem:s9], [sflag:$0x2] =	stream.indirect_vreg.gather [hbm4b:s2+s3], $0x80, v3, vm0, $0xb8;
	[tilespmem:$0x12200] =	vst v63  }
0x85: {  	v3 =	vld [tilespmem:$0xA0];
	_ =	sdelay $0x4  }
0x86: {  	v54 =	vshll.u32 v3, $0x1  }
0x87: {  	v3 =	vand.u32 $0x7, v3;
	v4 =	vand.u32 $0xFFFFFFF0, v54  }
0x88: {  	v3 =	vor.u32 v3, v4  }
0x89: {  	v4 =	vperm.xlane v3, v0;
	_ =	sdelay $0x1  }
0x8a: {  	v3 =	vperm.xlane v3, v2;
	v4 =	vadd.s32 v1, v4;
	_ =	sdelay $0x1  }
0x8b: {  	v3 =	vadd.s32 v1, v3;
	_ =	sdelay $0x1  }
0x8c: {  	s10 =	simm.s32 $0x8200  }
0x8d: {  	[tilespmem:s10], [sflag:$0x2] =	stream.indirect_vreg.gather [hbm4b:s2+s3], $0x80, v4, vm0, $0xb8;
	[tilespmem:$0x12200] =	vst v63  }
0x8e: {  	_ = 	snop  }
0x8f: {  	[tilespmem:s11], [sflag:$0x2] =	stream.indirect_vreg.gather [hbm4b:s2+s3], $0x80, v3, vm0, $0xb8;
	[tilespmem:$0x12200] =	vst v63  }
0x90: {  	v3 =	vld [tilespmem:$0xB0];
	_ =	sdelay $0x4  }
0x91: {  	v55 =	vshll.u32 v3, $0x1  }
0x92: {  	v3 =	vand.u32 $0x7, v3;
	v4 =	vand.u32 $0xFFFFFFF0, v55  }
0x93: {  	v3 =	vor.u32 v3, v4  }
0x94: {  	v4 =	vperm.xlane v3, v0;
	_ =	sdelay $0x1  }
0x95: {  	v3 =	vperm.xlane v3, v2;
	v4 =	vadd.s32 v1, v4;
	_ =	sdelay $0x1  }
0x96: {  	v3 =	vadd.s32 v1, v3;
	_ =	sdelay $0x2  }
0x97: {  	[tilespmem:s12], [sflag:$0x2] =	stream.indirect_vreg.gather [hbm4b:s2+s3], $0x80, v4, vm0, $0xb8;
	[tilespmem:$0x12200] =	vst v63  }
0x98: {  	_ = 	snop  }
0x99: {  	[tilespmem:s13], [sflag:$0x2] =	stream.indirect_vreg.gather [hbm4b:s2+s3], $0x80, v3, vm0, $0xb8;
	[tilespmem:$0x12200] =	vst v63  }
0x9a: {  	v3 =	vld [tilespmem:$0xC0];
	_ =	sdelay $0x4  }
0x9b: {  	v56 =	vshll.u32 v3, $0x1  }
0x9c: {  	v3 =	vand.u32 $0x7, v3;
	v4 =	vand.u32 $0xFFFFFFF0, v56  }
0x9d: {  	v3 =	vor.u32 v3, v4  }
0x9e: {  	v4 =	vperm.xlane v3, v0;
	_ =	sdelay $0x1  }
0x9f: {  	v3 =	vperm.xlane v3, v2;
	v4 =	vadd.s32 v1, v4;
	_ =	sdelay $0x1  }
0xa0: {  	v3 =	vadd.s32 v1, v3;
	_ =	sdelay $0x2  }
0xa1: {  	[tilespmem:s14], [sflag:$0x2] =	stream.indirect_vreg.gather [hbm4b:s2+s3], $0x80, v4, vm0, $0xb8;
	[tilespmem:$0x12200] =	vst v63  }
0xa2: {  	_ = 	snop  }
0xa3: {  	[tilespmem:s15], [sflag:$0x2] =	stream.indirect_vreg.gather [hbm4b:s2+s3], $0x80, v3, vm0, $0xb8;
	[tilespmem:$0x12200] =	vst v63  }
0xa4: {  	v3 =	vld [tilespmem:$0xD0];
	_ =	sdelay $0x4  }
0xa5: {  	v57 =	vshll.u32 v3, $0x1  }
0xa6: {  	v3 =	vand.u32 $0x7, v3;
	v4 =	vand.u32 $0xFFFFFFF0, v57  }
0xa7: {  	v3 =	vor.u32 v3, v4  }
0xa8: {  	v4 =	vperm.xlane v3, v0;
	_ =	sdelay $0x1  }
0xa9: {  	v3 =	vperm.xlane v3, v2;
	v4 =	vadd.s32 v1, v4;
	_ =	sdelay $0x1  }
0xaa: {  	v3 =	vadd.s32 v1, v3;
	_ =	sdelay $0x2  }
0xab: {  	[tilespmem:s16], [sflag:$0x2] =	stream.indirect_vreg.gather [hbm4b:s2+s3], $0x80, v4, vm0, $0xb8;
	[tilespmem:$0x12200] =	vst v63  }
0xac: {  	_ = 	snop  }
0xad: {  	[tilespmem:s17], [sflag:$0x2] =	stream.indirect_vreg.gather [hbm4b:s2+s3], $0x80, v3, vm0, $0xb8;
	[tilespmem:$0x12200] =	vst v63  }
0xae: {  	_ =	swait.ge [sflag:s5], $0x60  }
0xaf: {  	[sflag:s5] =	ssyncset.done $0x0  }
0xb0: {  	[sflag:s5] =	ssyncadd.s32 $0xFFFFFFA0  }
0xb1: {  	v3 =	vld [tilespmem:$0x100];
	_ =	sdelay $0x4  }
0xb2: {  	v58 =	vshll.u32 v3, $0x1  }
0xb3: {  	v3 =	vand.u32 $0x7, v3;
	v4 =	vand.u32 $0xFFFFFFF0, v58  }
0xb4: {  	v3 =	vor.u32 v3, v4  }
0xb5: {  	v4 =	vperm.xlane v3, v0;
	_ =	sdelay $0x1  }
0xb6: {  	v3 =	vperm.xlane v3, v2;
	v4 =	vadd.s32 v1, v4;
	_ =	sdelay $0x1  }
0xb7: {  	v3 =	vadd.s32 v1, v3;
	_ =	sdelay $0x2  }
0xb8: {  	[tilespmem:s18], [sflag:$0x2] =	stream.indirect_vreg.gather [hbm4b:s2+s3], $0x80, v4, vm0, $0xb8;
	[tilespmem:$0x12200] =	vst v63  }
0xb9: {  	_ = 	snop  }
0xba: {  	[tilespmem:s19], [sflag:$0x2] =	stream.indirect_vreg.gather [hbm4b:s2+s3], $0x80, v3, vm0, $0xb8;
	[tilespmem:$0x12200] =	vst v63  }
0xbb: {  	v3 =	vld [tilespmem:$0x110];
	_ =	sdelay $0x4  }
0xbc: {  	v59 =	vshll.u32 v3, $0x1  }
0xbd: {  	v3 =	vand.u32 $0x7, v3;
	v4 =	vand.u32 $0xFFFFFFF0, v59  }
0xbe: {  	v3 =	vor.u32 v3, v4  }
0xbf: {  	v4 =	vperm.xlane v3, v0;
	_ =	sdelay $0x1  }
0xc0: {  	v3 =	vperm.xlane v3, v2;
	v4 =	vadd.s32 v1, v4;
	_ =	sdelay $0x1  }
0xc1: {  	v3 =	vadd.s32 v1, v3;
	_ =	sdelay $0x2  }
0xc2: {  	[tilespmem:s20], [sflag:$0x2] =	stream.indirect_vreg.gather [hbm4b:s2+s3], $0x80, v4, vm0, $0xb8;
	[tilespmem:$0x12200] =	vst v63  }
0xc3: {  	_ = 	snop  }
0xc4: {  	[tilespmem:s21], [sflag:$0x2] =	stream.indirect_vreg.gather [hbm4b:s2+s3], $0x80, v3, vm0, $0xb8;
	[tilespmem:$0x12200] =	vst v63  }
0xc5: {  	v3 =	vld [tilespmem:$0x120];
	_ =	sdelay $0x4  }
0xc6: {  	v60 =	vshll.u32 v3, $0x1  }
0xc7: {  	v3 =	vand.u32 $0x7, v3;
	v4 =	vand.u32 $0xFFFFFFF0, v60  }
0xc8: {  	v3 =	vor.u32 v3, v4  }
0xc9: {  	v4 =	vperm.xlane v3, v0;
	_ =	sdelay $0x1  }
0xca: {  	v3 =	vperm.xlane v3, v2;
	v4 =	vadd.s32 v1, v4;
	_ =	sdelay $0x1  }
0xcb: {  	v3 =	vadd.s32 v1, v3;
	_ =	sdelay $0x2  }
0xcc: {  	[tilespmem:s22], [sflag:$0x2] =	stream.indirect_vreg.gather [hbm4b:s2+s3], $0x80, v4, vm0, $0xb8;
	[tilespmem:$0x12200] =	vst v63  }
0xcd: {  	_ = 	snop  }
0xce: {  	[tilespmem:s23], [sflag:$0x2] =	stream.indirect_vreg.gather [hbm4b:s2+s3], $0x80, v3, vm0, $0xb8;
	[tilespmem:$0x12200] =	vst v63  }
0xcf: {  	v3 =	vld [tilespmem:$0x130];
	_ =	sdelay $0x4  }
0xd0: {  	v61 =	vshll.u32 v3, $0x1  }
0xd1: {  	v3 =	vand.u32 $0x7, v3;
	v4 =	vand.u32 $0xFFFFFFF0, v61  }
0xd2: {  	v3 =	vor.u32 v3, v4  }
0xd3: {  	v4 =	vperm.xlane v3, v0;
	_ =	sdelay $0x1  }
0xd4: {  	v3 =	vperm.xlane v3, v2;
	v4 =	vadd.s32 v1, v4;
	_ =	sdelay $0x1  }
0xd5: {  	v3 =	vadd.s32 v1, v3;
	_ =	sdelay $0x2  }
0xd6: {  	[tilespmem:s24], [sflag:$0x2] =	stream.indirect_vreg.gather [hbm4b:s2+s3], $0x80, v4, vm0, $0xb8;
	[tilespmem:$0x12200] =	vst v63  }
0xd7: {  	_ = 	snop  }
0xd8: {  	[tilespmem:s25], [sflag:$0x2] =	stream.indirect_vreg.gather [hbm4b:s2+s3], $0x80, v3, vm0, $0xb8;
	[tilespmem:$0x12200] =	vst v63  }
0xd9: {  	v3 =	vld [tilespmem:$0x140];
	_ =	sdelay $0x4  }
0xda: {  	v62 =	vshll.u32 v3, $0x1  }
0xdb: {  	v3 =	vand.u32 $0x7, v3;
	v4 =	vand.u32 $0xFFFFFFF0, v62  }
0xdc: {  	v3 =	vor.u32 v3, v4  }
0xdd: {  	v4 =	vperm.xlane v3, v0;
	_ =	sdelay $0x1  }
0xde: {  	v3 =	vperm.xlane v3, v2;
	v4 =	vadd.s32 v1, v4;
	_ =	sdelay $0x1  }
0xdf: {  	v3 =	vadd.s32 v1, v3;
	_ =	sdelay $0x2  }
0xe0: {  	[tilespmem:s26], [sflag:$0x2] =	stream.indirect_vreg.gather [hbm4b:s2+s3], $0x80, v4, vm0, $0xb8;
	[tilespmem:$0x12200] =	vst v63  }
0xe1: {  	_ = 	snop  }
0xe2: {  	[tilespmem:s28], [sflag:$0x2] =	stream.indirect_vreg.gather [hbm4b:s2+s3], $0x80, v3, vm0, $0xb8;
	[tilespmem:$0x12200] =	vst v63  }
0xe3: {  	v3 =	vld [tilespmem:$0x150];
	_ =	sdelay $0x4  }
0xe4: {  	v63 =	vshll.u32 v3, $0x1  }
0xe5: {  	v3 =	vand.u32 $0x7, v3;
	v4 =	vand.u32 $0xFFFFFFF0, v63  }
0xe6: {  	v3 =	vor.u32 v3, v4  }
0xe7: {  	v4 =	vperm.xlane v3, v0;
	_ =	sdelay $0x1  }
0xe8: {  	v3 =	vperm.xlane v3, v2;
	v4 =	vadd.s32 v1, v4;
	_ =	sdelay $0x1  }
0xe9: {  	v3 =	vadd.s32 v1, v3;
	_ =	sdelay $0x2  }
0xea: {  	[tilespmem:s29], [sflag:$0x2] =	stream.indirect_vreg.gather [hbm4b:s2+s3], $0x80, v4, vm0, $0xb8;
	[tilespmem:$0x12200] =	vst v63  }
0xeb: {  	_ = 	snop  }
0xec: {  	[tilespmem:s30], [sflag:$0x2] =	stream.indirect_vreg.gather [hbm4b:s2+s3], $0x80, v3, vm0, $0xb8;
	[tilespmem:$0x12200] =	vst v63  }
0xed: {  	_ =	swait.ge [sflag:s31], $0x6000  }
0xee: {  	[sflag:s31] =	ssyncset.done $0x0  }
0xef: {  	s8 =	rddreg [dreg:$0x7];
	[sflag:s31] =	ssyncadd.s32 $0xFFFFA000  }
0xf0: {  	[hbm4b:s8+s3] =	stream.linear.scatter [tilespmem:s6], [sflag:$0x3], $0x6000, $0x38;
	[tilespmem:$0x12200] =	vst v63  }
0xf1: {  	_ =	swait.ge [sflag:s31], $0x6000  }
0xf2: {  	[sflag:s31] =	ssyncset.done $0x0  }
0xf3: {  	s9 =	rddreg [dreg:$0x8];
	[sflag:s31] =	ssyncadd.s32 $0xFFFFA000  }
0xf4: {  	[hbm4b:s9+s3] =	stream.linear.scatter [tilespmem:s7], [sflag:$0x3], $0x6000, $0x38;
	[tilespmem:$0x12200] =	vst v63  }
0xf5: {  	_ =	swait.ge [sflag:s31], $0x6000  }
0xf6: {  	[sflag:s31] =	ssyncset.done $0x0  }
0xf7: {  	s10 =	rddreg [dreg:$0x9];
	[sflag:s31] =	ssyncadd.s32 $0xFFFFA000  }
0xf8: {  	[hbm4b:s10+s3] =	stream.linear.scatter [tilespmem:s18], [sflag:$0x3], $0x6000, $0x38;
	[tilespmem:$0x12200] =	vst v63  }
0xf9: {  	_ =	swait.ge [sflag:s1], $0x6000  }
0xfa: {  	[sflag:s1] =	ssyncset.done $0x0  }
0xfb: {  	[sflag:s1] =	ssyncadd.s32 $0xFFFFA000  }
0xfc: {  	p0 =	sne.s32 s4, $0x1;
	_ =	swait.ge [sflag:s1], $0x6000  }
.Ltmp0:
0xfd: {  	[sflag:s1] =	ssyncset.done $0x0;
	(pc) =	sbr.rel @p0 .LBB2_1-.Ltmp0, $4  }
0xfe: {  	[sflag:s1] =	ssyncadd.s32 $0xFFFFA000  }
0xff: {  	_ =	swait.ge [sflag:s1], $0x6000  }
0x100: {  	[sflag:s1] =	ssyncset.done $0x0  }
0x101: {  	s4 =	sadd.s32 $0xFFFFFFFF, s4;
	[sflag:s1] =	ssyncadd.s32 $0xFFFFA000  }
0x102: {  	_ =	sfence.sel $0x180000  }
0x103: {  	[bflag:$0x0] =	sbarrier.arrive $0xFFFF  }
0x104: {  	_ =	strace $0x90000047  }
0x105: {  	s0 =	stileid.u32;
	[bflag:$0x2] =	sbarrier.arrive $0xFFFF  }
0x106: {  	p0 =	sne.s32 s0, $0x0;
	s0 =	rddreg [dreg:$0x3]  }
0x107: {  	s0 =	sadd.s32 @!p0 $0x100000, s0  }
0x108: {  	[sflag:s0] =	ssyncadd.tile.s32 @!p0 $0x1;
	_ =	shalt  }
.Lfunc_end2:
_tile_overlayer_lowered:
.L_overlay_start_2:
0x109: {  	(tag) =	ssettag $0x2  }
0x10a: {  	s0 =	rddreg [dreg:$0x0];
	s2 =	stileid.u32  }
0x10b: {  	s1 =	rddreg [dreg:$0x1];
	p0 =	sne.s32 s2, $0x0  }
0x10c: {  	s3 =	rddreg [dreg:$0x2];
	[bflag:$0x3] =	sbarrier.arrive $0xFFFF;
	s2 =	simm.s32 @!p0 $0x1C04  }
0x10d: {  	[timem:s3], [sflag:s2] =	dma.local @!p0 [hbm:s0], s1  }
0x10e: {  	s0 =	simm.s32 @!p0 $0x4  }
0x10f: {  	_ =	swait.ge @!p0 [sflag:s0], s1  }
0x110: {  	s1 =	ssub.s32 @!p0 $0x0, s1;
	[sflag:s0] =	ssyncset.done @!p0 $0x0  }
0x111: {  	[sflag:s0] =	ssyncadd.s32 @!p0 s1  }
0x112: {  	[bflag:$0x3] =	sbarrier.arrive $0xFFFF  }
0x113: {  	_ =	shalt  }

</sc_bundles>
